<compile_context>
chip_gen: v7x
topology: tpu7x:2x2x1
jax: 0.10.2.dev20260603
libtpu: 0.0.44.dev20260713+nightly
codegen_flags: <defaults>
</compile_context>

<pallas_src>
import functools

import jax
import jax.numpy as jnp
from jax import lax
from jax.experimental import pallas as pl
from jax.experimental.pallas import tpu as pltpu
from jax.experimental.pallas import tpu_sc as plsc

NUM_EMB = 8192
DIM = 64
N_TOK = 9216
COMMIT = 0.25

TB = 512
NB = N_TOK // TB

NW = 32
B_PER_W = N_TOK // NW
IDX_CHUNK = 96
N_CHUNK = B_PER_W // IDX_CHUNK


def _vq_block(x_ref, embT_ref, esq_ref, xsq_ref,
              enc_ref, idx_ref, loss_ref, perp_ref,
              acc_ref, cnt_ref):
    i = pl.program_id(0)

    @pl.when(i == 0)
    def _init():
        cnt_ref[...] = jnp.zeros_like(cnt_ref)
        acc_ref[0] = 0.0

    xb = x_ref[...].astype(jnp.bfloat16)
    dot = lax.dot_general(xb, embT_ref[...],
                          (((1,), (0,)), ((), ())),
                          preferred_element_type=jnp.float32)
    d = (xsq_ref[...] + esq_ref[...]) - 2.0 * dot
    dmin = jnp.min(d, axis=1, keepdims=True)
    iota = lax.broadcasted_iota(jnp.int32, (TB, NUM_EMB), 1)
    idxv = jnp.min(jnp.where(d == dmin, iota, NUM_EMB),
                   axis=1, keepdims=True)
    onehot = (iota == idxv).astype(jnp.float32)
    enc_ref[...] = onehot
    idx_ref[...] = idxv
    ones_row = jnp.ones((8, TB), jnp.float32)
    csum = lax.dot_general(ones_row, onehot,
                           (((1,), (0,)), ((), ())),
                           preferred_element_type=jnp.float32)
    cnt_ref[...] += csum[:1]
    acc_ref[0] += jnp.sum(dmin)

    @pl.when(i == NB - 1)
    def _fin():
        loss_ref[...] = (COMMIT * (acc_ref[0] / (N_TOK * DIM))).reshape(1, 1)
        p = cnt_ref[...] * (1.0 / N_TOK)
        perp_ref[...] = jnp.exp(-jnp.sum(p * jnp.log(p + 1e-10))).reshape(1, 1)


def _tc_pass(flat, embT_bf16, esq_row, xsq_col):
    return pl.pallas_call(
        _vq_block,
        grid=(NB,),
        in_specs=[
            pl.BlockSpec((TB, DIM), lambda i: (i, 0)),
            pl.BlockSpec((DIM, NUM_EMB), lambda i: (0, 0)),
            pl.BlockSpec((1, NUM_EMB), lambda i: (0, 0)),
            pl.BlockSpec((TB, 1), lambda i: (i, 0)),
        ],
        out_specs=[
            pl.BlockSpec((TB, NUM_EMB), lambda i: (i, 0)),
            pl.BlockSpec((TB, 1), lambda i: (i, 0)),
            pl.BlockSpec((1, 1), lambda i: (0, 0)),
            pl.BlockSpec((1, 1), lambda i: (0, 0)),
        ],
        out_shape=[
            jax.ShapeDtypeStruct((N_TOK, NUM_EMB), jnp.float32),
            jax.ShapeDtypeStruct((N_TOK, 1), jnp.int32),
            jax.ShapeDtypeStruct((1, 1), jnp.float32),
            jax.ShapeDtypeStruct((1, 1), jnp.float32),
        ],
        scratch_shapes=[
            pltpu.SMEM((1,), jnp.float32),
            pltpu.VMEM((1, NUM_EMB), jnp.float32),
        ],
        compiler_params=pltpu.CompilerParams(
            vmem_limit_bytes=100 * 1024 * 1024),
    )(flat, embT_bf16, esq_row, xsq_col)


PAD_D = 128


def _sc_gather(table_pad, idx_flat):
    mesh = plsc.VectorSubcoreMesh(core_axis_name="c", subcore_axis_name="s")

    @functools.partial(
        pl.kernel,
        mesh=mesh,
        out_type=jax.ShapeDtypeStruct((N_TOK, PAD_D), jnp.float32),
        scratch_types=[
            pltpu.VMEM((B_PER_W,), jnp.int32),
            pltpu.VMEM((B_PER_W, PAD_D), jnp.float32),
            pltpu.SemaphoreType.DMA,
        ],
    )
    def k(table_hbm, idx_hbm, out_hbm, idx_v, rows_v, sem):
        wid = lax.axis_index("s") * 2 + lax.axis_index("c")
        pltpu.sync_copy(idx_hbm.at[pl.ds(wid * B_PER_W, B_PER_W)], idx_v)
        for j in range(N_CHUNK):
            pltpu.async_copy(table_hbm.at[idx_v.at[pl.ds(j * IDX_CHUNK, IDX_CHUNK)]],
                             rows_v.at[pl.ds(j * IDX_CHUNK, IDX_CHUNK)],
                             sem).wait()
        pltpu.sync_copy(rows_v, out_hbm.at[pl.ds(wid * B_PER_W, B_PER_W)])

    return k(table_pad, idx_flat)


def kernel(inputs, embedding):
    flat = inputs.reshape(-1, DIM)
    xsq = jnp.sum(flat ** 2, axis=1, keepdims=True)
    esq = jnp.sum(embedding ** 2, axis=1)
    embT = embedding.T.astype(jnp.bfloat16)

    enc, idx, loss2, perp2 = _tc_pass(flat, embT, esq.reshape(1, NUM_EMB), xsq)

    table_pad = jnp.pad(embedding, ((0, 0), (0, PAD_D - DIM)))
    quant_pad = _sc_gather(table_pad, idx.reshape(N_TOK))
    quant = quant_pad[:, :DIM].reshape(inputs.shape)

    return loss2[0, 0], quant, perp2[0, 0], enc

# --- scband reference (transcript-rebuilt; emitter-appended) ---
"""Pipeline reference for scband-vector-quantizer-ema-34608846471813 (READ-ONLY COPY).

The authoritative reference and input builder live on the scoring server;
editing this copy changes nothing except your own understanding.
"""

import jax, jax.numpy as jnp
import numpy as np

NUM_EMBEDDINGS = 8192
EMBEDDING_DIM = 64
COMMITMENT_COST = 0.25


def setup_inputs(seed: int = 0) -> dict:
    key = jax.random.key(seed)
    k1, k2 = jax.random.split(key)
    inputs = jax.random.normal(k1, (16, 576, EMBEDDING_DIM), dtype=jnp.float32)
    # learned codebook (nn.Embedding weight, initialized normal_())
    embedding = jax.random.normal(k2, (NUM_EMBEDDINGS, EMBEDDING_DIM), dtype=jnp.float32)
    return {"inputs": inputs, "embedding": embedding}


def reference(inputs, embedding):
    # eval-mode forward (EMA buffer updates are training-only side effects)
    input_shape = inputs.shape
    flat_input = inputs.reshape(-1, EMBEDDING_DIM)
    distances = (
        jnp.sum(flat_input ** 2, axis=1, keepdims=True)
        + jnp.sum(embedding ** 2, axis=1)
        - 2.0 * flat_input @ embedding.T
    )
    encoding_indices = jnp.argmin(distances, axis=1)
    n_tok = flat_input.shape[0]
    # scatter one-hot (mirrors torch scatter_)
    encodings = jnp.zeros((n_tok, NUM_EMBEDDINGS), dtype=jnp.float32).at[
        jnp.arange(n_tok), encoding_indices
    ].set(1.0)
    quantized = (encodings @ embedding).reshape(input_shape)
    e_latent_loss = jnp.mean((jax.lax.stop_gradient(quantized) - inputs) ** 2)
    loss = COMMITMENT_COST * e_latent_loss
    quantized = inputs + jax.lax.stop_gradient(quantized - inputs)
    avg_probs = jnp.mean(encodings, axis=0)
    perplexity = jnp.exp(-jnp.sum(avg_probs * jnp.log(avg_probs + 1e-10)))
    return (loss, quantized, perplexity, encodings)

if __name__ == "__main__":
    import jax
    _d = setup_inputs()
    print(jax.jit(kernel)(*tuple(_d.values())))

</pallas_src>

<mosaic_0001>
#map = affine_map<(d0, d1) -> (0, 0)>
#map1 = affine_map<(d0, d1) -> (0)>
module attributes {stable_mosaic.version = 14 : i64} {
  func.func @k(%arg0: i32, %arg1: i32, %arg2: memref<8192x128xf32, #tpu.memory_space<hbm>>, %arg3: memref<9216xi32, #tpu.memory_space<hbm>>, %arg4: memref<9216x128xf32, #tpu.memory_space<hbm>>, %arg5: memref<288xi32, #tpu.memory_space<vmem>>, %arg6: memref<288x128xf32, #tpu.memory_space<vmem>>, %arg7: memref<!tpu.dma_semaphore, #tpu.memory_space<semaphore_mem>>) attributes {dimension_semantics = [#tpu.dimension_semantics<core_parallel>, #tpu.dimension_semantics<subcore_parallel>], iteration_bounds = array<i64: 2, 16>, scalar_prefetch = 0 : i64, scratch_operands = 3 : i64, tpu.core_type = #tpu.core_type<sc_vector_subcore>, window_params = [{transform_indices = #map}, {transform_indices = #map1}, {transform_indices = #map}]} {
    %mul3A = arith.constant 2 : i32
    %mul3A_0 = arith.muli %arg1, %mul3A : i32
    %add3A = arith.addi %mul3A_0, %arg0 : i32
    %mul3A_1 = arith.constant 288 : i32
    %mul3A_2 = arith.muli %add3A, %mul3A_1 : i32
    "tpu.region"() ({
      %run_scoped3A = tpu.sem_alloc : memref<!tpu.dma_semaphore, #tpu.memory_space<semaphore_mem>>
      %dma_start3A_51 = tpu.memref_slice %arg3[%mul3A_2] : memref<9216xi32, #tpu.memory_space<hbm>> -> memref<288xi32, #tpu.memory_space<hbm>>
      %dma_start3A_52 = tpu.memref_slice %arg3[%mul3A_2] : memref<9216xi32, #tpu.memory_space<hbm>> -> memref<288xi32, #tpu.memory_space<hbm>>
      tpu.enqueue_dma source(%dma_start3A_52 : memref<288xi32, #tpu.memory_space<hbm>>) target(%arg5 : memref<288xi32, #tpu.memory_space<vmem>>) target_semaphore(%run_scoped3A : memref<!tpu.dma_semaphore, #tpu.memory_space<semaphore_mem>>)
      %dma_wait3A_53 = tpu.memref_slice %arg3[%mul3A_2] : memref<9216xi32, #tpu.memory_space<hbm>> -> memref<288xi32, #tpu.memory_space<hbm>>
      %dma_wait3A_54 = tpu.memref_slice %arg3[%mul3A_2] : memref<9216xi32, #tpu.memory_space<hbm>> -> memref<288xi32, #tpu.memory_space<hbm>>
      tpu.wait_dma2 semaphore(%run_scoped3A : memref<!tpu.dma_semaphore, #tpu.memory_space<semaphore_mem>>) src(%dma_wait3A_54 : memref<288xi32, #tpu.memory_space<hbm>>) dst(%arg5 : memref<288xi32, #tpu.memory_space<vmem>>)
      tpu.yield
    }) : () -> ()
    %dma_start3A = arith.constant 0 : i32
    %dma_start3A_3 = arith.constant 0 : i32
    %dma_start3A_4 = tpu.memref_slice %arg6[%dma_start3A, %dma_start3A_3] : memref<288x128xf32, #tpu.memory_space<vmem>> -> memref<96x128xf32, #tpu.memory_space<vmem>>
    %dma_start3A_5 = arith.constant 0 : i32
    %dma_start3A_6 = tpu.memref_slice %arg5[%dma_start3A_5] : memref<288xi32, #tpu.memory_space<vmem>> -> memref<96xi32, #tpu.memory_space<vmem>>
    %dma_start3A_7 = arith.constant 0 : i32
    %dma_start3A_8 = arith.constant 0 : i32
    %dma_start3A_9 = tpu.memref_slice %arg2[%dma_start3A_7, %dma_start3A_8] : memref<8192x128xf32, #tpu.memory_space<hbm>> -> memref<8192x128xf32, #tpu.memory_space<hbm>>
    tpu.enqueue_indirect_dma source(%dma_start3A_9 : memref<8192x128xf32, #tpu.memory_space<hbm>>) target(%dma_start3A_4 : memref<96x128xf32, #tpu.memory_space<vmem>>) offsets(%dma_start3A_6 : memref<96xi32, #tpu.memory_space<vmem>>) semaphore(%arg7 : memref<!tpu.dma_semaphore, #tpu.memory_space<semaphore_mem>>)
    %dma_wait3A = arith.constant 0 : i32
    %dma_wait3A_10 = arith.constant 0 : i32
    %dma_wait3A_11 = tpu.memref_slice %arg6[%dma_wait3A, %dma_wait3A_10] : memref<288x128xf32, #tpu.memory_space<vmem>> -> memref<96x128xf32, #tpu.memory_space<vmem>>
    %dma_wait3A_12 = arith.constant 0 : i32
    %dma_wait3A_13 = tpu.memref_slice %arg5[%dma_wait3A_12] : memref<288xi32, #tpu.memory_space<vmem>> -> memref<96xi32, #tpu.memory_space<vmem>>
    %dma_wait3A_14 = arith.constant 0 : i32
    %dma_wait3A_15 = arith.constant 0 : i32
    %dma_wait3A_16 = tpu.memref_slice %arg2[%dma_wait3A_14, %dma_wait3A_15] : memref<8192x128xf32, #tpu.memory_space<hbm>> -> memref<8192x128xf32, #tpu.memory_space<hbm>>
    tpu.wait_indirect_dma semaphore(%arg7 : memref<!tpu.dma_semaphore, #tpu.memory_space<semaphore_mem>>) src(%dma_wait3A_16 : memref<8192x128xf32, #tpu.memory_space<hbm>>) dst(%dma_wait3A_11 : memref<96x128xf32, #tpu.memory_space<vmem>>)
    %dma_start3A_17 = arith.constant 96 : i32
    %dma_start3A_18 = arith.constant 0 : i32
    %dma_start3A_19 = tpu.memref_slice %arg6[%dma_start3A_17, %dma_start3A_18] : memref<288x128xf32, #tpu.memory_space<vmem>> -> memref<96x128xf32, #tpu.memory_space<vmem>>
    %dma_start3A_20 = arith.constant 96 : i32
    %dma_start3A_21 = tpu.memref_slice %arg5[%dma_start3A_20] : memref<288xi32, #tpu.memory_space<vmem>> -> memref<96xi32, #tpu.memory_space<vmem>>
    %dma_start3A_22 = arith.constant 0 : i32
    %dma_start3A_23 = arith.constant 0 : i32
    %dma_start3A_24 = tpu.memref_slice %arg2[%dma_start3A_22, %dma_start3A_23] : memref<8192x128xf32, #tpu.memory_space<hbm>> -> memref<8192x128xf32, #tpu.memory_space<hbm>>
    tpu.enqueue_indirect_dma source(%dma_start3A_24 : memref<8192x128xf32, #tpu.memory_space<hbm>>) target(%dma_start3A_19 : memref<96x128xf32, #tpu.memory_space<vmem>>) offsets(%dma_start3A_21 : memref<96xi32, #tpu.memory_space<vmem>>) semaphore(%arg7 : memref<!tpu.dma_semaphore, #tpu.memory_space<semaphore_mem>>)
    %dma_wait3A_25 = arith.constant 96 : i32
    %dma_wait3A_26 = arith.constant 0 : i32
    %dma_wait3A_27 = tpu.memref_slice %arg6[%dma_wait3A_25, %dma_wait3A_26] : memref<288x128xf32, #tpu.memory_space<vmem>> -> memref<96x128xf32, #tpu.memory_space<vmem>>
    %dma_wait3A_28 = arith.constant 96 : i32
    %dma_wait3A_29 = tpu.memref_slice %arg5[%dma_wait3A_28] : memref<288xi32, #tpu.memory_space<vmem>> -> memref<96xi32, #tpu.memory_space<vmem>>
    %dma_wait3A_30 = arith.constant 0 : i32
    %dma_wait3A_31 = arith.constant 0 : i32
    %dma_wait3A_32 = tpu.memref_slice %arg2[%dma_wait3A_30, %dma_wait3A_31] : memref<8192x128xf32, #tpu.memory_space<hbm>> -> memref<8192x128xf32, #tpu.memory_space<hbm>>
    tpu.wait_indirect_dma semaphore(%arg7 : memref<!tpu.dma_semaphore, #tpu.memory_space<semaphore_mem>>) src(%dma_wait3A_32 : memref<8192x128xf32, #tpu.memory_space<hbm>>) dst(%dma_wait3A_27 : memref<96x128xf32, #tpu.memory_space<vmem>>)
    %dma_start3A_33 = arith.constant 192 : i32
    %dma_start3A_34 = arith.constant 0 : i32
    %dma_start3A_35 = tpu.memref_slice %arg6[%dma_start3A_33, %dma_start3A_34] : memref<288x128xf32, #tpu.memory_space<vmem>> -> memref<96x128xf32, #tpu.memory_space<vmem>>
    %dma_start3A_36 = arith.constant 192 : i32
    %dma_start3A_37 = tpu.memref_slice %arg5[%dma_start3A_36] : memref<288xi32, #tpu.memory_space<vmem>> -> memref<96xi32, #tpu.memory_space<vmem>>
    %dma_start3A_38 = arith.constant 0 : i32
    %dma_start3A_39 = arith.constant 0 : i32
    %dma_start3A_40 = tpu.memref_slice %arg2[%dma_start3A_38, %dma_start3A_39] : memref<8192x128xf32, #tpu.memory_space<hbm>> -> memref<8192x128xf32, #tpu.memory_space<hbm>>
    tpu.enqueue_indirect_dma source(%dma_start3A_40 : memref<8192x128xf32, #tpu.memory_space<hbm>>) target(%dma_start3A_35 : memref<96x128xf32, #tpu.memory_space<vmem>>) offsets(%dma_start3A_37 : memref<96xi32, #tpu.memory_space<vmem>>) semaphore(%arg7 : memref<!tpu.dma_semaphore, #tpu.memory_space<semaphore_mem>>)
    %dma_wait3A_41 = arith.constant 192 : i32
    %dma_wait3A_42 = arith.constant 0 : i32
    %dma_wait3A_43 = tpu.memref_slice %arg6[%dma_wait3A_41, %dma_wait3A_42] : memref<288x128xf32, #tpu.memory_space<vmem>> -> memref<96x128xf32, #tpu.memory_space<vmem>>
    %dma_wait3A_44 = arith.constant 192 : i32
    %dma_wait3A_45 = tpu.memref_slice %arg5[%dma_wait3A_44] : memref<288xi32, #tpu.memory_space<vmem>> -> memref<96xi32, #tpu.memory_space<vmem>>
    %dma_wait3A_46 = arith.constant 0 : i32
    %dma_wait3A_47 = arith.constant 0 : i32
    %dma_wait3A_48 = tpu.memref_slice %arg2[%dma_wait3A_46, %dma_wait3A_47] : memref<8192x128xf32, #tpu.memory_space<hbm>> -> memref<8192x128xf32, #tpu.memory_space<hbm>>
    tpu.wait_indirect_dma semaphore(%arg7 : memref<!tpu.dma_semaphore, #tpu.memory_space<semaphore_mem>>) src(%dma_wait3A_48 : memref<8192x128xf32, #tpu.memory_space<hbm>>) dst(%dma_wait3A_43 : memref<96x128xf32, #tpu.memory_space<vmem>>)
    %mul3A_49 = arith.constant 288 : i32
    %mul3A_50 = arith.muli %add3A, %mul3A_49 : i32
    "tpu.region"() ({
      %run_scoped3A = tpu.sem_alloc : memref<!tpu.dma_semaphore, #tpu.memory_space<semaphore_mem>>
      %dma_start3A_51 = arith.constant 0 : i32
      %dma_start3A_52 = tpu.memref_slice %arg4[%mul3A_50, %dma_start3A_51] : memref<9216x128xf32, #tpu.memory_space<hbm>> -> memref<288x128xf32, #tpu.memory_space<hbm>>
      %dma_start3A_53 = arith.constant 0 : i32
      %dma_start3A_54 = tpu.memref_slice %arg4[%mul3A_50, %dma_start3A_53] : memref<9216x128xf32, #tpu.memory_space<hbm>> -> memref<288x128xf32, #tpu.memory_space<hbm>>
      tpu.enqueue_dma source(%arg6 : memref<288x128xf32, #tpu.memory_space<vmem>>) target(%dma_start3A_54 : memref<288x128xf32, #tpu.memory_space<hbm>>) target_semaphore(%run_scoped3A : memref<!tpu.dma_semaphore, #tpu.memory_space<semaphore_mem>>)
      %dma_wait3A_55 = arith.constant 0 : i32
      %dma_wait3A_56 = tpu.memref_slice %arg4[%mul3A_50, %dma_wait3A_55] : memref<9216x128xf32, #tpu.memory_space<hbm>> -> memref<288x128xf32, #tpu.memory_space<hbm>>
      %dma_wait3A_57 = arith.constant 0 : i32
      %dma_wait3A_58 = tpu.memref_slice %arg4[%mul3A_50, %dma_wait3A_57] : memref<9216x128xf32, #tpu.memory_space<hbm>> -> memref<288x128xf32, #tpu.memory_space<hbm>>
      tpu.wait_dma2 semaphore(%run_scoped3A : memref<!tpu.dma_semaphore, #tpu.memory_space<semaphore_mem>>) src(%arg6 : memref<288x128xf32, #tpu.memory_space<vmem>>) dst(%dma_wait3A_58 : memref<288x128xf32, #tpu.memory_space<hbm>>)
      tpu.yield
    }) : () -> ()
    return
  }
}

module attributes {stable_mosaic.version = 14 : i64} {
  func.func @_vq_block(%arg0: i32, %arg1: memref<512x64xf32, #tpu.memory_space<vmem>>, %arg2: memref<64x8192xbf16, #tpu.memory_space<vmem>>, %arg3: memref<1x8192xf32, #tpu.memory_space<vmem>>, %arg4: memref<512x1xf32, #tpu.memory_space<vmem>>, %arg5: memref<512x8192xf32, #tpu.memory_space<vmem>>, %arg6: memref<512x1xi32, #tpu.memory_space<vmem>>, %arg7: memref<1x1xf32, #tpu.memory_space<vmem>>, %arg8: memref<1x1xf32, #tpu.memory_space<vmem>>, %arg9: memref<1xf32, #tpu.memory_space<smem>>, %arg10: memref<1x8192xf32, #tpu.memory_space<vmem>>) attributes {dimension_semantics = [#tpu.dimension_semantics<arbitrary>], iteration_bounds = array<i64: 18>, scalar_prefetch = 0 : i64, scratch_operands = 2 : i64, tpu.core_type = #tpu.core_type<tc>, window_params = [{transform_indices = @transform_0, window_bounds = array<i64: 512, 64>}, {pipeline_mode = #tpu.pipeline_mode<synchronous>, transform_indices = @transform_1, window_bounds = array<i64: 64, 8192>}, {pipeline_mode = #tpu.pipeline_mode<synchronous>, transform_indices = @transform_2, window_bounds = array<i64: 1, 8192>}, {transform_indices = @transform_3, window_bounds = array<i64: 512, 1>}, {transform_indices = @transform_4, window_bounds = array<i64: 512, 8192>}, {transform_indices = @transform_5, window_bounds = array<i64: 512, 1>}, {pipeline_mode = #tpu.pipeline_mode<synchronous>, transform_indices = @transform_6, window_bounds = array<i64: 1, 1>}, {pipeline_mode = #tpu.pipeline_mode<synchronous>, transform_indices = @transform_7, window_bounds = array<i64: 1, 1>}]} {
    %eq3A = arith.constant 0 : i32
    %eq3A_0 = arith.cmpi eq, %arg0, %eq3A : i32
    %convert_element_type3A = arith.extui %eq3A_0 : i1 to i32
    %cond3A = arith.constant 0 : i32
    %cond3A_1 = arith.cmpi ne, %convert_element_type3A, %cond3A : i32
    scf.if %cond3A_1 {
      %broadcast_in_dim3A_60 = arith.constant 0.000000e+00 : f32
      %broadcast_in_dim3A_61 = vector.broadcast %broadcast_in_dim3A_60 : f32 to vector<1x8192xf32>
      %swap3A_62 = arith.constant 0 : index
      %swap3A_63 = arith.constant 0 : index
      %swap3A_64 = vector.load %arg10[%swap3A_62, %swap3A_63] : memref<1x8192xf32, #tpu.memory_space<vmem>>, vector<1x8192xf32>
      tpu.vector_store %arg10[%swap3A_62, %swap3A_63], %broadcast_in_dim3A_61 {strides = array<i32>} : memref<1x8192xf32, #tpu.memory_space<vmem>>, vector<1x8192xf32>,
      %swap3A_65 = arith.constant 0.000000e+00 : f32
      %swap3A_66 = arith.constant 0 : index
      %swap3A_67 = memref.load %arg9[%swap3A_66] : memref<1xf32, #tpu.memory_space<smem>>
      memref.store %swap3A_65, %arg9[%swap3A_66] : memref<1xf32, #tpu.memory_space<smem>>
    } else {
    }
    %get3A = arith.constant 0 : index
    %get3A_2 = arith.constant 0 : index
    %get3A_3 = vector.load %arg1[%get3A, %get3A_2] : memref<512x64xf32, #tpu.memory_space<vmem>>, vector<512x64xf32>
    %convert_element_type3A_4 = arith.truncf %get3A_3 : vector<512x64xf32> to vector<512x64xbf16>
    %get3A_5 = arith.constant 0 : index
    %get3A_6 = arith.constant 0 : index
    %get3A_7 = vector.load %arg2[%get3A_5, %get3A_6] : memref<64x8192xbf16, #tpu.memory_space<vmem>>, vector<64x8192xbf16>
    %dot_general3A = arith.constant dense<0.000000e+00> : vector<512x8192xf32>
    %dot_general3A_8 = tpu.matmul %convert_element_type3A_4, %get3A_7, %dot_general3A {dimension_numbers = #tpu.dot_dimension_numbers<[1], [0], [0], [1], [0, 0, 1, 1], [], []>, transpose_lhs_hint = false} : vector<512x64xbf16>, vector<64x8192xbf16>, vector<512x8192xf32> -> vector<512x8192xf32>
    %get3A_9 = arith.constant 0 : index
    %get3A_10 = arith.constant 0 : index
    %get3A_11 = vector.load %arg4[%get3A_9, %get3A_10] : memref<512x1xf32, #tpu.memory_space<vmem>>, vector<512x1xf32>
    %get3A_12 = arith.constant 0 : index
    %get3A_13 = arith.constant 0 : index
    %get3A_14 = vector.load %arg3[%get3A_12, %get3A_13] : memref<1x8192xf32, #tpu.memory_space<vmem>>, vector<1x8192xf32>
    %add3A = vector.broadcast %get3A_11 : vector<512x1xf32> to vector<512x8192xf32>
    %add3A_15 = vector.broadcast %get3A_14 : vector<1x8192xf32> to vector<512x8192xf32>
    %add3A_16 = arith.addf %add3A, %add3A_15 : vector<512x8192xf32>
    %mul3A = arith.constant 2.000000e+00 : f32
    %mul3A_17 = vector.broadcast %mul3A : f32 to vector<512x8192xf32>
    %mul3A_18 = arith.mulf %mul3A_17, %dot_general3A_8 : vector<512x8192xf32>
    %sub3A = arith.subf %add3A_16, %mul3A_18 : vector<512x8192xf32>
    %reduce_min3A = arith.constant dense<0x7F800000> : vector<512xf32>
    %reduce_min3A_19 = vector.multi_reduction <minimumf>, %sub3A, %reduce_min3A [1] : vector<512x8192xf32> to vector<512xf32>
    %broadcast_in_dim3A = vector.shape_cast %reduce_min3A_19 : vector<512xf32> to vector<512x1xf32>
    %iota3A = tpu.iota {dimensions = array<i32: 1>} : vector<512x8192xi32>
    %eq3A_20 = vector.broadcast %broadcast_in_dim3A : vector<512x1xf32> to vector<512x8192xf32>
    %eq3A_21 = arith.cmpf oeq, %sub3A, %eq3A_20 : vector<512x8192xf32>
    %jit3A = arith.constant 8192 : i32
    %broadcast_in_dim3A_22 = vector.broadcast %jit3A : i32 to vector<512x8192xi32>
    %select_n3A = arith.select %eq3A_21, %iota3A, %broadcast_in_dim3A_22 : vector<512x8192xi1>, vector<512x8192xi32>
    %reduce_min3A_23 = arith.constant dense<2147483647> : vector<512xi32>
    %reduce_min3A_24 = vector.multi_reduction <minsi>, %select_n3A, %reduce_min3A_23 [1] : vector<512x8192xi32> to vector<512xi32>
    %broadcast_in_dim3A_25 = vector.shape_cast %reduce_min3A_24 : vector<512xi32> to vector<512x1xi32>
    %eq3A_26 = vector.broadcast %broadcast_in_dim3A_25 : vector<512x1xi32> to vector<512x8192xi32>
    %eq3A_27 = arith.cmpi eq, %iota3A, %eq3A_26 : vector<512x8192xi32>
    %convert_element_type3A_28 = arith.extui %eq3A_27 : vector<512x8192xi1> to vector<512x8192xi32>
    %convert_element_type3A_29 = arith.sitofp %convert_element_type3A_28 : vector<512x8192xi32> to vector<512x8192xf32>
    %swap3A = arith.constant 0 : index
    %swap3A_30 = arith.constant 0 : index
    %swap3A_31 = vector.load %arg5[%swap3A, %swap3A_30] : memref<512x8192xf32, #tpu.memory_space<vmem>>, vector<512x8192xf32>
    tpu.vector_store %arg5[%swap3A, %swap3A_30], %convert_element_type3A_29 {strides = array<i32>} : memref<512x8192xf32, #tpu.memory_space<vmem>>, vector<512x8192xf32>,
    %swap3A_32 = arith.constant 0 : index
    %swap3A_33 = arith.constant 0 : index
    %swap3A_34 = vector.load %arg6[%swap3A_32, %swap3A_33] : memref<512x1xi32, #tpu.memory_space<vmem>>, vector<512x1xi32>
    tpu.vector_store %arg6[%swap3A_32, %swap3A_33], %broadcast_in_dim3A_25 {strides = array<i32>} : memref<512x1xi32, #tpu.memory_space<vmem>>, vector<512x1xi32>,
    %broadcast_in_dim3A_35 = arith.constant 1.000000e+00 : f32
    %broadcast_in_dim3A_36 = vector.broadcast %broadcast_in_dim3A_35 : f32 to vector<8x512xf32>
    %dot_general3A_37 = arith.constant dense<0.000000e+00> : vector<8x8192xf32>
    %dot_general3A_38 = tpu.matmul %broadcast_in_dim3A_36, %convert_element_type3A_29, %dot_general3A_37 {dimension_numbers = #tpu.dot_dimension_numbers<[1], [0], [0], [1], [0, 0, 1, 1], [], []>, transpose_lhs_hint = false} : vector<8x512xf32>, vector<512x8192xf32>, vector<8x8192xf32> -> vector<8x8192xf32>
    %get3A_39 = arith.constant 0 : index
    %get3A_40 = arith.constant 0 : index
    %get3A_41 = vector.load %arg10[%get3A_39, %get3A_40] : memref<1x8192xf32, #tpu.memory_space<vmem>>, vector<1x8192xf32>
    %slice3A = vector.extract_strided_slice %dot_general3A_38 {offsets = [0, 0], sizes = [1, 8192], strides = [1, 1]} : vector<8x8192xf32> to vector<1x8192xf32>
    %add3A_42 = arith.addf %get3A_41, %slice3A : vector<1x8192xf32>
    %swap3A_43 = arith.constant 0 : index
    %swap3A_44 = arith.constant 0 : index
    %swap3A_45 = vector.load %arg10[%swap3A_43, %swap3A_44] : memref<1x8192xf32, #tpu.memory_space<vmem>>, vector<1x8192xf32>
    tpu.vector_store %arg10[%swap3A_43, %swap3A_44], %add3A_42 {strides = array<i32>} : memref<1x8192xf32, #tpu.memory_space<vmem>>, vector<1x8192xf32>,
    %get3A_46 = arith.constant 0 : index
    %get3A_47 = memref.load %arg9[%get3A_46] : memref<1xf32, #tpu.memory_space<smem>>
    %reduce_sum3A = vector.shape_cast %broadcast_in_dim3A : vector<512x1xf32> to vector<1x512x1xf32>
    %reduce_sum3A_48 = arith.constant dense<0.000000e+00> : vector<1xf32>
    %reduce_sum3A_49 = vector.multi_reduction <add>, %reduce_sum3A, %reduce_sum3A_48 [1, 2] : vector<1x512x1xf32> to vector<1xf32>
    %reduce_sum3A_50 = vector.shape_cast %reduce_sum3A_49 : vector<1xf32> to vector<1x1x1xf32>
    %reduce_sum3A_51 = vector.extract %reduce_sum3A_50[0, 0, 0] : f32 from vector<1x1x1xf32>
    %add3A_52 = arith.addf %get3A_47, %reduce_sum3A_51 : f32
    %swap3A_53 = arith.constant 0 : index
    %swap3A_54 = memref.load %arg9[%swap3A_53] : memref<1xf32, #tpu.memory_space<smem>>
    memref.store %add3A_52, %arg9[%swap3A_53] : memref<1xf32, #tpu.memory_space<smem>>
    %eq3A_55 = arith.constant 17 : i32
    %eq3A_56 = arith.cmpi eq, %arg0, %eq3A_55 : i32
    %convert_element_type3A_57 = arith.extui %eq3A_56 : i1 to i32
    %cond3A_58 = arith.constant 0 : i32
    %cond3A_59 = arith.cmpi ne, %convert_element_type3A_57, %cond3A_58 : i32
    scf.if %cond3A_59 {
      %get3A_60 = arith.constant 0 : index
      %get3A_61 = memref.load %arg9[%get3A_60] : memref<1xf32, #tpu.memory_space<smem>>
      %div3A = arith.constant 5.898240e+05 : f32
      %div3A_62 = arith.divf %get3A_61, %div3A : f32
      %mul3A_63 = arith.constant 2.500000e-01 : f32
      %mul3A_64 = arith.mulf %mul3A_63, %div3A_62 : f32
      %reshape3A = vector.broadcast %mul3A_64 : f32 to vector<1x1xf32>
      %swap3A_65 = arith.constant 0 : index
      %swap3A_66 = arith.constant 0 : index
      %swap3A_67 = vector.load %arg7[%swap3A_65, %swap3A_66] : memref<1x1xf32, #tpu.memory_space<vmem>>, vector<1x1xf32>
      tpu.vector_store %arg7[%swap3A_65, %swap3A_66], %reshape3A {strides = array<i32>} : memref<1x1xf32, #tpu.memory_space<vmem>>, vector<1x1xf32>,
      %get3A_68 = arith.constant 0 : index
      %get3A_69 = arith.constant 0 : index
      %get3A_70 = vector.load %arg10[%get3A_68, %get3A_69] : memref<1x8192xf32, #tpu.memory_space<vmem>>, vector<1x8192xf32>
      %mul3A_71 = arith.constant 1.08506945E-4 : f32
      %mul3A_72 = vector.broadcast %mul3A_71 : f32 to vector<1x8192xf32>
      %mul3A_73 = arith.mulf %get3A_70, %mul3A_72 : vector<1x8192xf32>
      %add3A_74 = arith.constant 1.000000e-10 : f32
      %add3A_75 = vector.broadcast %add3A_74 : f32 to vector<1x8192xf32>
      %add3A_76 = arith.addf %mul3A_73, %add3A_75 : vector<1x8192xf32>
      %log3A = math.log %add3A_76 : vector<1x8192xf32>
      %mul3A_77 = arith.mulf %mul3A_73, %log3A : vector<1x8192xf32>
      %reduce_sum3A_78 = vector.shape_cast %mul3A_77 : vector<1x8192xf32> to vector<1x1x8192xf32>
      %reduce_sum3A_79 = arith.constant dense<0.000000e+00> : vector<1xf32>
      %reduce_sum3A_80 = vector.multi_reduction <add>, %reduce_sum3A_78, %reduce_sum3A_79 [1, 2] : vector<1x1x8192xf32> to vector<1xf32>
      %reduce_sum3A_81 = vector.shape_cast %reduce_sum3A_80 : vector<1xf32> to vector<1x1x1xf32>
      %reduce_sum3A_82 = vector.extract %reduce_sum3A_81[0, 0, 0] : f32 from vector<1x1x1xf32>
      %neg3A = arith.constant 0.000000e+00 : f32
      %neg3A_83 = arith.subf %neg3A, %reduce_sum3A_82 : f32
      %exp3A = math.exp %neg3A_83 : f32
      %reshape3A_84 = vector.broadcast %exp3A : f32 to vector<1x1xf32>
      %swap3A_85 = arith.constant 0 : index
      %swap3A_86 = arith.constant 0 : index
      %swap3A_87 = vector.load %arg8[%swap3A_85, %swap3A_86] : memref<1x1xf32, #tpu.memory_space<vmem>>, vector<1x1xf32>
      tpu.vector_store %arg8[%swap3A_85, %swap3A_86], %reshape3A_84 {strides = array<i32>} : memref<1x1xf32, #tpu.memory_space<vmem>>, vector<1x1xf32>,
    } else {
    }
    return
  }
  func.func @transform_0(%arg0: i32) -> (i32, i32) {
    %c0_i32 = arith.constant 0 : i32
    %c0_i32_0 = arith.constant 0 : i32
    return %arg0, %c0_i32 : i32, i32
  }
  func.func @transform_1(%arg0: i32) -> (i32, i32) {
    %c0_i32 = arith.constant 0 : i32
    %c0_i32_0 = arith.constant 0 : i32
    %c0_i32_1 = arith.constant 0 : i32
    return %c0_i32, %c0_i32_0 : i32, i32
  }
  func.func @transform_2(%arg0: i32) -> (i32, i32) {
    %c0_i32 = arith.constant 0 : i32
    %c0_i32_0 = arith.constant 0 : i32
    %c0_i32_1 = arith.constant 0 : i32
    return %c0_i32, %c0_i32_0 : i32, i32
  }
  func.func @transform_3(%arg0: i32) -> (i32, i32) {
    %c0_i32 = arith.constant 0 : i32
    %c0_i32_0 = arith.constant 0 : i32
    return %arg0, %c0_i32 : i32, i32
  }
  func.func @transform_4(%arg0: i32) -> (i32, i32) {
    %c0_i32 = arith.constant 0 : i32
    %c0_i32_0 = arith.constant 0 : i32
    return %arg0, %c0_i32 : i32, i32
  }
  func.func @transform_5(%arg0: i32) -> (i32, i32) {
    %c0_i32 = arith.constant 0 : i32
    %c0_i32_0 = arith.constant 0 : i32
    return %arg0, %c0_i32 : i32, i32
  }
  func.func @transform_6(%arg0: i32) -> (i32, i32) {
    %c0_i32 = arith.constant 0 : i32
    %c0_i32_0 = arith.constant 0 : i32
    %c0_i32_1 = arith.constant 0 : i32
    return %c0_i32, %c0_i32_0 : i32, i32
  }
  func.func @transform_7(%arg0: i32) -> (i32, i32) {
    %c0_i32 = arith.constant 0 : i32
    %c0_i32_0 = arith.constant 0 : i32
    %c0_i32_1 = arith.constant 0 : i32
    return %c0_i32, %c0_i32_0 : i32, i32
  }
}

</mosaic_0001>

<sc_bundles>
// kernel: kernel.4.cloned.1.call-start
scs
__scs_entry_jumppad:
0x0: {  	(pc) =	sbr.rel $0x88, $3  }
0x1: {  	(tag) =	ssettag $0x0;
	lr =	simm.s32 $0x1  }
0x2: {  	[smem:$0x3F9F] =	sst lr;
	_ =	strace $0xD0000000  }
0x3: {  	_ = 	snop  }
0x4: {  	_ = 	snop  }
0x5: {  	_ = 	snop  }
0x6: {  	_ = 	snop  }
0x7: {  	_ = 	snop  }
__scs_overlays_trampoline_lowered:
0x8: {  	[smem:$0x3FAE] =	sst s0  }
0x9: {  	[smem:$0x3FAF] =	sst s1  }
0xa: {  	[smem:$0x3FB0] =	sst s2  }
0xb: {  	[smem:$0x3FB1] =	sst s3  }
0xc: {  	[smem:$0x3FB2] =	sst s4  }
0xd: {  	[smem:$0x3FB3] =	sst s5  }
0xe: {  	[smem:$0x3FB4] =	sst s6  }
0xf: {  	[smem:$0x3FB5] =	sst s7  }
0x10: {  	[smem:$0x3FB6] =	sst s8  }
0x11: {  	[smem:$0x3FB7] =	sst s9;
	s0 =	simm.s32 @!p0 $0x0  }
0x12: {  	s1 =	sld [smem:$0x3F9D];
	s0 =	simm.s32 @p0 $0x1  }
0x13: {  	[smem:$0x3FB8] =	sst s0;
	s0 =	simm.s32 @!p1 $0x0  }
0x14: {  	s2 =	sld [smem:$0x3F9C];
	s0 =	simm.s32 @p1 $0x1  }
0x15: {  	[smem:$0x3FB9] =	sst s0;
	s0 =	simm.s32 @!p2 $0x0  }
0x16: {  	s3 =	sld [smem:$0x3FDB];
	s0 =	simm.s32 @p2 $0x1  }
0x17: {  	s4 =	simm.s32 $0x1BF5;
	[smem:$0x3FBB] =	sst s0  }
0x18: {  	s0 =	sld [smem:$0x3F9E];
	_ =	swait.ge [sflag:s4], $0x0  }
0x19: {  	s7 =	sld [smem:$0x3F9F]  }
0x1a: {  	s8 =	sadd.s32 $0xFFFFE003, lr  }
0x1b: {  	s9 =	sadd.s32 $0xFFFFFEF7, lr;
	s5 =	simm.s32 $0xFFFFFFFF;
	p2 =	slt.u32 s8, $0xFFFFF086  }
0x1c: {  	p1 =	slt.u32 s9, $0xF7A;
	s5 =	simm.s32 @!p2 $0x0  }
0x1d: {  	s5 =	simm.s32 @p1 $0x1;
	p0 =	seq.s32 s7, s2  }
0x1e: {  	s7 =	smul.u32 @!p0 $0xF7A, s2;
	p2 =	seq.s32 @!p0 s5, $0x0  }
0x1f: {  	s9 =	smul.u32 $0xF7A, s1;
	s8 =	simm.s32 @!p0 $0x1BF5;
	p2 =	por !p2, p0  }
0x20: {  	[sflag:s8] =	ssyncset.s32 @!p0 $0xFFFFF086;
	s6 =	sadd.s32 @!p0 s3, s7;
	s7 =	simm.s32 @!p0 $0x108  }
0x21: {  	s3 =	sadd.s32 s3, s9;
	s6 =	sadd.s32 @!p0 $0x88, s6;
	s7 =	simm.s32 @p2 $0x1082  }
0x22: {  	[simem:s7], [sflag:s8] =	dma.local @!p0 [hbm:s6], $0xF7A  }
0x23: {  	s9 =	sor.u32 $0xD0000000, s2;
	s6 =	simm.s32 $0x108;
	_ =	swait.ge @!p0 [sflag:s8], $0x0  }
0x24: {  	s3 =	sadd.s32 $0x88, s3;
	s6 =	simm.s32 @!p1 $0x1082;
	[sflag:s4] =	ssyncset.s32 $0xFFFFF086  }
0x25: {  	[simem:s6], [sflag:s4] =	dma.local [hbm:s3], $0xF7A  }
0x26: {  	[smem:$0x3F9F] =	sst s1;
	(tag) =	ssettag s2;
	_ =	strace s9  }
0x27: {  	s1 =	sld [smem:$0x3FAF]  }
0x28: {  	s2 =	sld [smem:$0x3FB0]  }
0x29: {  	s4 =	sld [smem:$0x3FB2]  }
0x2a: {  	p0 =	seq.s32 s5, $0x0;
	s5 =	sld [smem:$0x3FB3]  }
0x2b: {  	s6 =	sld [smem:$0x3FB4]  }
0x2c: {  	s7 =	sld [smem:$0x3FB5]  }
0x2d: {  	s3 =	simm.s32 $0x108;
	s8 =	sld [smem:$0x3FB6]  }
0x2e: {  	s3 =	simm.s32 @!p0 $0x1082;
	s9 =	sld [smem:$0x3FB7]  }
0x2f: {  	lr =	sadd.s32 s0, s3;
	s0 =	sld [smem:$0x3FAE]  }
0x30: {  	s3 =	sld [smem:$0x3FB1]  }
0x31: {  	[smem:$0x3FBA] =	sst s10  }
0x32: {  	s10 =	sld [smem:$0x3FB8];
	_ =	sdelay $0x3  }
0x33: {  	p0 =	seq.s32 s10, $0x1;
	s10 =	sld [smem:$0x3FBA];
	_ =	sdelay $0x3  }
0x34: {  	[smem:$0x3FBA] =	sst s10  }
0x35: {  	s10 =	sld [smem:$0x3FB9];
	_ =	sdelay $0x3  }
0x36: {  	p1 =	seq.s32 s10, $0x1;
	s10 =	sld [smem:$0x3FBA];
	_ =	sdelay $0x3  }
0x37: {  	[smem:$0x3FBA] =	sst s10  }
0x38: {  	s10 =	sld [smem:$0x3FBB]  }
0x39: {  	_ = 	snop;
	(pc) =	sbr.ind lr, $3  }
0x3a: {  	_ = 	snop  }
0x3b: {  	_ = 	snop  }
0x3c: {  	p2 =	seq.s32 s10, $0x1;
	s10 =	sld [smem:$0x3FBA]  }
0x3d: {  	_ =	shalt  }
0x3e: {  	_ =	shalt  }
0x3f: {  	_ =	shalt  }
0x40: {  	_ =	shalt  }
0x41: {  	_ =	shalt  }
0x42: {  	_ =	shalt  }
0x43: {  	_ =	shalt  }
0x44: {  	_ =	shalt  }
0x45: {  	_ =	shalt  }
0x46: {  	_ =	shalt  }
0x47: {  	_ =	shalt  }
0x48: {  	_ =	shalt  }
0x49: {  	_ =	shalt  }
0x4a: {  	_ =	shalt  }
0x4b: {  	_ =	shalt  }
0x4c: {  	_ =	shalt  }
0x4d: {  	_ =	shalt  }
0x4e: {  	_ =	shalt  }
0x4f: {  	_ =	shalt  }
0x50: {  	_ =	shalt  }
0x51: {  	_ =	shalt  }
0x52: {  	_ =	shalt  }
0x53: {  	_ =	shalt  }
0x54: {  	_ =	shalt  }
0x55: {  	_ =	shalt  }
0x56: {  	_ =	shalt  }
0x57: {  	_ =	shalt  }
0x58: {  	_ =	shalt  }
0x59: {  	_ =	shalt  }
0x5a: {  	_ =	shalt  }
0x5b: {  	_ =	shalt  }
0x5c: {  	_ =	shalt  }
0x5d: {  	_ =	shalt  }
0x5e: {  	_ =	shalt  }
0x5f: {  	_ =	shalt  }
0x60: {  	_ =	shalt  }
0x61: {  	_ =	shalt  }
0x62: {  	_ =	shalt  }
0x63: {  	_ =	shalt  }
0x64: {  	_ =	shalt  }
0x65: {  	_ =	shalt  }
0x66: {  	_ =	shalt  }
0x67: {  	_ =	shalt  }
0x68: {  	_ =	shalt  }
0x69: {  	_ =	shalt  }
0x6a: {  	_ =	shalt  }
0x6b: {  	_ =	shalt  }
0x6c: {  	_ =	shalt  }
0x6d: {  	_ =	shalt  }
0x6e: {  	_ =	shalt  }
0x6f: {  	_ =	shalt  }
0x70: {  	_ =	shalt  }
0x71: {  	_ =	shalt  }
0x72: {  	_ =	shalt  }
0x73: {  	_ =	shalt  }
0x74: {  	_ =	shalt  }
0x75: {  	_ =	shalt  }
0x76: {  	_ =	shalt  }
0x77: {  	_ =	shalt  }
0x78: {  	_ =	shalt  }
0x79: {  	_ =	shalt  }
0x7a: {  	_ =	shalt  }
0x7b: {  	_ =	shalt  }
0x7c: {  	_ =	shalt  }
0x7d: {  	_ =	shalt  }
0x7e: {  	_ =	shalt  }
0x7f: {  	_ =	shalt  }
0x80: {  	_ =	shalt  }
0x81: {  	_ =	shalt  }
0x82: {  	_ =	shalt  }
0x83: {  	_ =	shalt  }
0x84: {  	_ =	shalt  }
0x85: {  	_ =	shalt  }
0x86: {  	_ =	shalt  }
0x87: {  	_ =	shalt  }
.Lfunc_end0:
.L_simem_size_0:
called_computation_lowered:
.L_overlay_start_0:
0x88: {  	s2 =	sld [smem:$0x3FD9]  }
0x89: {  	s3 =	sld [smem:$0x3FFE];
	_ =	sdelay $0x1  }
0x8a: {  	s1 =	srdreg.scid  }
0x8b: {  	s0 =	sand.u32 $0x1, s1  }
0x8c: {  	s14 =	sshll.u32 s0, $0xA;
	s2 =	sadd.s32 s3, s2  }
0x8d: {  	s2 =	sadd.s32 s2, s14  }
0x8e: {  	[smem:$0x3FC6] =	sst s2  }
0x8f: {  	_ = 	snop  }
0x90: {  	s2 =	sld [smem:$0x3FD0];
	_ =	sdelay $0x2  }
0x91: {  	s15 =	simm.s32 $0xA;
	s4 =	simm.s32 $0x10  }
0x92: {  	[smem:s4], [sflag:s15] =	dma.local [hbm:s2], $0x1  }
0x93: {  	_ =	swait.eq [sflag:s15], $0x1  }
0x94: {  	[sflag:s15] =	ssyncset.done $0x0  }
0x95: {  	[sflag:s15] =	ssyncadd.s32 $0xFFFFFFFF  }
0x96: {  	s16 =	sld [smem:$0x11];
	(tm) =	ssettm $0x1  }
0x97: {  	s17 =	sld [smem:$0x3FFB];
	_ =	sdelay $0x3  }
0x98: {  	_ =	strace s17  }
0x99: {  	s3 =	sld [smem:$0x3FFC];
	_ =	sdelay $0x3  }
0x9a: {  	_ =	strace s3  }
0x9b: {  	s3 =	sld [smem:$0x3FFD];
	_ =	sdelay $0x3  }
0x9c: {  	_ =	strace s3  }
0x9d: {  	_ =	strace $0x8FFFFFFF  }
0x9e: {  	s18 =	sld [smem:$0x3FDB];
	_ =	sdelay $0x1  }
0x9f: {  	s19 =	simm.s32 $_scs_section_size  }
0xa0: {  	s5 =	simm.s32 $_size__tile_overlayer_lowered;
	s6 =	simm.s32 $_tile_overlayer_lowered  }
0xa1: {  	s22 =	simm.s32 $0x1BFF;
	s21 =	sshll.u32 s6, $0x1;
	s3 =	sadd.s32 s19, s18  }
0xa2: {  	s7 =	simm.s32 $0x0;
	s20 =	sshll.u32 s5, $0x1;
	s5 =	sadd.s32 s21, s3  }
0xa3: {  	[timem:s7], [sflag:s22] =	dma.local [hbm:s5], s20  }
0xa4: {  	_ =	swait.ge [sflag:s22], s20  }
0xa5: {  	s4 =	ssub.s32 $0x0, s20;
	[sflag:s22] =	ssyncset.done $0x0  }
0xa6: {  	[sflag:s22] =	ssyncadd.s32 s4;
	_ =	sdelay $0x1  }
0xa7: {  	s23 =	simm.s32 $0x1B8B  }
0xa8: {  	_ =	swait.ge [sflag:s23], $0x1  }
0xa9: {  	[sflag:s23] =	ssyncset.done $0x0  }
0xaa: {  	s25 =	simm.s32 $0x1B8E;
	s24 =	sld [smem:$0x3FFE];
	[sflag:s23] =	ssyncadd.s32 $0xFFFFFFFF  }
0xab: {  	s26 =	simm.s32 $execute0_lowered;
	[smem:$0x3FD2] =	sst s25  }
0xac: {  	s5 =	sshll.u32 s26, $0x1;
	_ =	strace $0x80000046;
	[dreg:$0x1] =	wrdreg $0xFFFFFFFF  }
0xad: {  	s28 =	simm.s32 $_size_execute0_lowered;
	s3 =	sadd.s32 s3, s5;
	[dreg:$0x0] =	wrdreg $0x0  }
0xae: {  	s5 =	sshll.u32 s28, $0x1;
	[dreg:$0x2] =	wrdreg s3  }
0xaf: {  	[dreg:$0x3] =	wrdreg s5  }
0xb0: {  	[dreg:$0x4] =	wrdreg $0xC0  }
0xb1: {  	_ =	task [dreg:s7], $0x5FFFF  }
0xb2: {  	[dreg:$0x1] =	wrdreg $0xFFFFFFFF  }
0xb3: {  	[dreg:$0x0] =	wrdreg $0x60  }
0xb4: {  	[dreg:$0x2] =	wrdreg s24  }
0xb5: {  	[dreg:$0x3] =	wrdreg s16  }
0xb6: {  	[dreg:$0x4] =	wrdreg $0x9  }
0xb7: {  	_ =	task.clear_ibuf [dreg:s7], $0x5FFFF;
	_ =	strace $0x90000046  }
0xb8: {  	s29 =	simm.s32 $0x9;
	_ =	strace $0x80000048  }
0xb9: {  	_ =	swait.ge [sflag:s29], $0x1  }
0xba: {  	[sflag:s29] =	ssyncadd.s32 $0xFFFFFFFF  }
0xbb: {  	_ =	strace $0x90000048  }
0xbc: {  	_ =	sfence  }
0xbd: {  	s30 =	sld [smem:$0x0];
	_ =	sdelay $0x2  }
0xbe: {  	s31 =	sshll.u32 s1, $0xD;
	s1 =	sshrl.u32 s1, $0x2  }
0xbf: {  	s3 =	sand.u32 $0x4000, s31;
	s1 =	sadd.s32 s1, s30  }
0xc0: {  	s0 =	sor.u32 s3, s0;
	s1 =	sshll.u32 s1, $0x11  }
0xc1: {  	s0 =	sor.u32 s1, s0  }
0xc2: {  	s0 =	sadd.s32 $0x8F2B, s0  }
0xc3: {  	[sflag:s0] =	ssyncadd.remote.s32 $0x1  }
0xc4: {  	_ =	sfence.sel $0xFFFF  }
0xc5: {  	[dreg:$0x0] =	wrdreg $0xFFFFFFFF;
	(pc) =	sbr.abs _section_cstart, $3  }
0xc6: {  	[dreg:$0x1] =	wrdreg $0xFFFFFFFF  }
0xc7: {  	_ =	task.clear_ibuf [dreg:s7], $0x2FFFF;
	_ =	strace $0x9FFFFFFF  }
0xc8: {  	(tm) =	ssettm $0x7FFFFFFF  }
0xc9: {  	_ =	shalt  }
tec
execute0_lowered:
.L_overlay_start_1:
0x0: {  	(tag) =	ssettag $0x1  }
0x1: {  	s1 =	srdreg.scid;
	s0 =	stileid.u32  }
0x2: {  	s2 =	rddreg [dreg:$0x0];
	s10 =	sand.u32 $0x1, s1;
	s31 =	sshll.u32 s0, $0x1  }
0x3: {  	s4 =	rddreg [dreg:$0x1];
	s11 =	sor.u32 s10, s31  }
0x4: {  	s3 =	simm.s32 $0x0;
	s1 =	rddreg [dreg:$0x2];
	s5 =	smul.u32 $0x24, s11  }
0x5: {  	[smem:$0x7FF] =	sst s3  }
0x6: {  	_ =	strace $0x80000047;
	s5 =	sadd.s32 s4, s5;
	s4 =	simm.s32 $0x2  }
0x7: {  	[tilespmem:s3], [sflag:$0x2] =	stream.linear.gather [hbm4b:s5+s3], $0x120, $0x38;
	[tilespmem:$0x9180] =	vst v63  }
0x8: {  	_ =	swait.ge [sflag:s4], $0x120  }
0x9: {  	s6 =	simm.s32 $0x60;
	[sflag:s4] =	ssyncset.done $0x0  }
0xa: {  	s7 =	simm.s32 $0x180;
	s8 =	simm.s32 $0x1;
	[sflag:s4] =	ssyncadd.s32 $0xFFFFFEE0  }
0xb: {  	[tilespmem:s7], [sflag:$0x1] =	stream.indirect.gather [hbm4b:s2+s6], $0x80, s3, s6, $0xb8;
	[tilespmem:$0x9180] =	vst v63  }
0xc: {  	_ =	swait.ge [sflag:s8], $0x3000  }
0xd: {  	[sflag:s8] =	ssyncset.done $0x0  }
0xe: {  	s9 =	simm.s32 $0x3180;
	s13 =	ssub.s32 $0x2, s10;
	[sflag:s8] =	ssyncadd.s32 $0xFFFFD000  }
0xf: {  	[tilespmem:s9], [sflag:$0x1] =	stream.indirect.gather [hbm4b:s2+s6], $0x80, s6, s6, $0xb8;
	[tilespmem:$0x9180] =	vst v63  }
0x10: {  	s10 =	simm.s32 $0xC0;
	s14 =	sshrl.u32 s13, $0x1;
	_ =	swait.ge [sflag:s8], $0x3000  }
0x11: {  	s12 =	smul.u32 $0x1200, s11;
	s13 =	ssub.s32 s13, s14;
	[sflag:s8] =	ssyncset.done $0x0  }
0x12: {  	s11 =	simm.s32 $0x6180;
	s13 =	smax.u32 s13, $0x1;
	[sflag:s8] =	ssyncadd.s32 $0xFFFFD000  }
0x13: {  	[tilespmem:s11], [sflag:$0x1] =	stream.indirect.gather [hbm4b:s2+s6], $0x80, s10, s6, $0xb8;
	[tilespmem:$0x9180] =	vst v63  }
0x14: {  	p0 =	sne.s32 s13, $0x1;
	_ =	swait.ge [sflag:s8], $0x3000  }
.Ltmp0:
0x15: {  	s12 =	sadd.s32 s12, s2;
	[sflag:s8] =	ssyncset.done $0x0;
	(pc) =	sbr.rel @!p0 .LBB2_2-.Ltmp0, $4  }
0x16: {  	s12 =	sadd.s32 $0x20000, s12;
	[sflag:s8] =	ssyncadd.s32 $0xFFFFD000  }
0x17: {  	[hbm4b:s12+s3] =	stream.linear.scatter [tilespmem:s7], [sflag:$0x2], $0x9000, $0x38;
	[tilespmem:$0x9180] =	vst v63  }
0x18: {  	_ =	swait.ge [sflag:s4], $0x9000  }
0x19: {  	s13 =	sadd.s32 $0xFFFFFFFF, s13;
	[sflag:s4] =	ssyncset.done $0x0  }
.LBB2_1:
0x1a: {  	p0 =	sne.s32 s13, $0x1;
	s13 =	sadd.s32 $0xFFFFFFFF, s13;
	[sflag:s4] =	ssyncadd.s32 $0xFFFF7000  }
0x1b: {  	[tilespmem:s3], [sflag:$0x2] =	stream.linear.gather [hbm4b:s5+s3], $0x120, $0x38;
	[tilespmem:$0x9180] =	vst v63  }
0x1c: {  	_ =	swait.ge [sflag:s4], $0x120  }
0x1d: {  	[sflag:s4] =	ssyncset.done $0x0  }
0x1e: {  	[sflag:s4] =	ssyncadd.s32 $0xFFFFFEE0  }
0x1f: {  	[tilespmem:s7], [sflag:$0x1] =	stream.indirect.gather [hbm4b:s2+s6], $0x80, s3, s6, $0xb8;
	[tilespmem:$0x9180] =	vst v63  }
0x20: {  	_ =	swait.ge [sflag:s8], $0x3000  }
0x21: {  	[sflag:s8] =	ssyncset.done $0x0  }
0x22: {  	[sflag:s8] =	ssyncadd.s32 $0xFFFFD000  }
0x23: {  	[tilespmem:s9], [sflag:$0x1] =	stream.indirect.gather [hbm4b:s2+s6], $0x80, s6, s6, $0xb8;
	[tilespmem:$0x9180] =	vst v63  }
0x24: {  	_ =	swait.ge [sflag:s8], $0x3000  }
0x25: {  	[sflag:s8] =	ssyncset.done $0x0  }
0x26: {  	[sflag:s8] =	ssyncadd.s32 $0xFFFFD000  }
0x27: {  	[tilespmem:s11], [sflag:$0x1] =	stream.indirect.gather [hbm4b:s2+s6], $0x80, s10, s6, $0xb8;
	[tilespmem:$0x9180] =	vst v63  }
0x28: {  	_ =	swait.ge [sflag:s8], $0x3000  }
.Ltmp1:
0x29: {  	[sflag:s8] =	ssyncset.done $0x0;
	(pc) =	sbr.rel @p0 .LBB2_1-.Ltmp1, $4  }
0x2a: {  	[sflag:s8] =	ssyncadd.s32 $0xFFFFD000  }
0x2b: {  	[hbm4b:s12+s3] =	stream.linear.scatter [tilespmem:s7], [sflag:$0x2], $0x9000, $0x38;
	[tilespmem:$0x9180] =	vst v63  }
0x2c: {  	_ =	swait.ge [sflag:s4], $0x9000  }
0x2d: {  	[sflag:s4] =	ssyncset.done $0x0  }
.LBB2_2:
0x2e: {  	[sflag:s4] =	ssyncadd.s32 $0xFFFF7000  }
0x2f: {  	_ =	sfence.sel $0x180000  }
0x30: {  	[bflag:$0x0] =	sbarrier.arrive $0xFFFF  }
0x31: {  	p0 =	sne.s32 s0, $0x0;
	_ =	strace $0x90000047  }
0x32: {  	s0 =	sadd.s32 @!p0 $0x100000, s1;
	[bflag:$0x2] =	sbarrier.arrive $0xFFFF  }
0x33: {  	[sflag:s0] =	ssyncadd.tile.s32 @!p0 $0x1;
	_ =	shalt  }
.Lfunc_end2:
_tile_overlayer_lowered:
.L_overlay_start_2:
0x34: {  	(tag) =	ssettag $0x2  }
0x35: {  	s0 =	rddreg [dreg:$0x0];
	s2 =	stileid.u32  }
0x36: {  	s1 =	rddreg [dreg:$0x1];
	p0 =	sne.s32 s2, $0x0  }
0x37: {  	s3 =	rddreg [dreg:$0x2];
	[bflag:$0x3] =	sbarrier.arrive $0xFFFF;
	s2 =	simm.s32 @!p0 $0x1C02  }
0x38: {  	[timem:s3], [sflag:s2] =	dma.local @!p0 [hbm:s0], s1  }
0x39: {  	s0 =	simm.s32 @!p0 $0x2  }
0x3a: {  	_ =	swait.ge @!p0 [sflag:s0], s1  }
0x3b: {  	s1 =	ssub.s32 @!p0 $0x0, s1;
	[sflag:s0] =	ssyncset.done @!p0 $0x0  }
0x3c: {  	[sflag:s0] =	ssyncadd.s32 @!p0 s1  }
0x3d: {  	[bflag:$0x3] =	sbarrier.arrive $0xFFFF  }
0x3e: {  	_ =	shalt  }

</sc_bundles>
